<compile_context>
chip_gen: v7x
topology: tpu7x:2x2x1
jax: 0.10.2.dev20260603
libtpu: 0.0.44.dev20260713+nightly
codegen_flags: <defaults>
</compile_context>

<pallas_src>
import jax
import jax.numpy as jnp
from jax.experimental import pallas as pl
from jax.experimental.pallas import tpu as pltpu

S = 4096
M = 1024
GE = 64
CAP = 128
NW = GE * CAP // 32
BS = 256
NBLK = S // BS


def _gate_kernel(x_ref, wt_ref, cw_ref, mask_ref, loss_ref, counts_ref, me_ref):
    pid = pl.program_id(0)

    @pl.when(pid == 0)
    def _init():
        counts_ref[...] = jnp.zeros_like(counts_ref)
        me_ref[...] = jnp.zeros_like(me_ref)

    x = x_ref[...]
    wt = wt_ref[...]
    logits = jnp.dot(x, wt, preferred_element_type=jnp.float32)

    row_max = jnp.max(logits, axis=1, keepdims=True)
    p = jnp.exp(logits - row_max)
    gates = p / jnp.sum(p, axis=1, keepdims=True)

    eids = jax.lax.broadcasted_iota(jnp.int32, (BS, GE), 1)
    eidx = jnp.min(jnp.where(logits == row_max, eids, GE), axis=1, keepdims=True)
    onehot_f = (eids == eidx).astype(jnp.float32)

    r = jax.lax.broadcasted_iota(jnp.int32, (BS, BS), 0)
    c = jax.lax.broadcasted_iota(jnp.int32, (BS, BS), 1)
    ltri = (r >= c).astype(jnp.float32)
    incl = jnp.dot(ltri, onehot_f, preferred_element_type=jnp.float32)

    counts = counts_ref[...]
    loc_s = jnp.sum((incl - 1.0 + counts) * onehot_f, axis=1, keepdims=True)
    kept = loc_s < CAP
    gate_val = jnp.sum(gates * onehot_f, axis=1, keepdims=True)

    pos = eidx * CAP + loc_s.astype(jnp.int32)
    pos = jnp.where(kept, pos, -1)

    fi = jax.lax.broadcasted_iota(jnp.int32, (BS, GE, CAP), 1) * CAP + \
        jax.lax.broadcasted_iota(jnp.int32, (BS, GE, CAP), 2)
    cond = fi == pos[:, :, None]
    cw_ref[...] = jnp.where(cond, gate_val[:, :, None], 0.0)

    wpos = jnp.where(kept, pos >> 5, -1)
    wval = jnp.left_shift(jnp.int32(1), pos & 31)
    wi = jax.lax.broadcasted_iota(jnp.int32, (BS, NW), 1)
    mask_ref[...] = jnp.where(wi == wpos, wval, 0)

    counts_ref[...] = counts + jnp.sum(onehot_f, axis=0, keepdims=True)
    me_ref[...] = me_ref[...] + jnp.sum(gates, axis=0, keepdims=True)

    @pl.when(pid == NBLK - 1)
    def _fin():
        loss_ref[...] = jnp.sum(
            me_ref[...] * counts_ref[...], axis=(0, 1), keepdims=True
        ) * (GE / (S * S))


def kernel(in_data, W):
    wt = W.T
    cw, mask8, loss = pl.pallas_call(
        _gate_kernel,
        grid=(NBLK,),
        in_specs=[
            pl.BlockSpec((BS, M), lambda i: (i, 0)),
            pl.BlockSpec((M, GE), lambda i: (0, 0)),
        ],
        out_specs=[
            pl.BlockSpec((BS, GE, CAP), lambda i: (i, 0, 0)),
            pl.BlockSpec((BS, NW), lambda i: (i, 0)),
            pl.BlockSpec((1, 1), lambda i: (0, 0)),
        ],
        out_shape=[
            jax.ShapeDtypeStruct((S, GE, CAP), jnp.float32),
            jax.ShapeDtypeStruct((S, NW), jnp.int32),
            jax.ShapeDtypeStruct((1, 1), jnp.float32),
        ],
        scratch_shapes=[
            pltpu.VMEM((1, GE), jnp.float32),
            pltpu.VMEM((1, GE), jnp.float32),
        ],
    )(in_data, wt)
    bitmasks = jnp.left_shift(jnp.int32(1), jnp.arange(32, dtype=jnp.int32))
    mask = ((mask8[:, :, None] & bitmasks) != 0).reshape(S, GE, CAP)
    return (cw, mask, loss[0, 0])

# --- scband reference (transcript-rebuilt; emitter-appended) ---
"""Pipeline reference for scband-top-kgate-5385888989890 (READ-ONLY COPY).

The authoritative reference and input builder live on the scoring server;
editing this copy changes nothing except your own understanding.
"""

import jax, jax.numpy as jnp
import numpy as np

S = 4096
M = 1024
GE = 64
TOP_K = 2
CAP_FACTOR = 1.0


def setup_inputs(seed: int = 0) -> dict:
    key = jax.random.key(seed)
    k1, k2 = jax.random.split(key)
    in_data = jax.random.normal(k1, (S, M), dtype=jnp.float32)
    # gate linear weight, torch.nn.Linear(model_dim, num_global_experts, bias=False) -> W: [GE, M]
    W = jax.random.normal(k2, (GE, M), dtype=jnp.float32) * 0.02
    return {"in_data": in_data, "W": W}


def reference(in_data, W):
    # eval mode: no dropout, no noise (use_noise=False)
    num_global_experts = GE
    top_k = TOP_K
    s = in_data.shape[0]
    # fp32 gate projection
    logits = jnp.dot(in_data.astype(jnp.float32), W.astype(jnp.float32).T)
    logits_wo_noise = logits
    # top-k selection
    topk_logits, topk_indices = jax.lax.top_k(logits, top_k)
    # one_hot_with_dtype(x, num_classes, dtype=index_dtype) per top-k column
    masks_se = [jax.nn.one_hot(topk_indices[:, i], num_global_experts, dtype=jnp.int32) for i in range(top_k)]
    gates = jax.nn.softmax(logits, axis=1)
    gates_s = [jnp.sum(gates * m.astype(gates.dtype), axis=1) for m in masks_se]
    # load_balance loss (fp32_gate path)
    me = jnp.sum(gates.astype(jnp.float32), axis=0)
    ce = jnp.sum(masks_se[0].astype(jnp.float32), axis=0)
    l_loss = jnp.sum(me * ce) * (num_global_experts / (s * s))
    # capacity
    capacity = top_k * int(CAP_FACTOR * ((S + num_global_experts - 1) // num_global_experts))
    # compute_location: cumsum - 1 (batch_prioritized_routing=False)
    locations1 = jnp.cumsum(masks_se[0], axis=0) - 1
    mask1 = (locations1 < capacity).astype(jnp.int32) * masks_se[0]
    locations1_s = jnp.sum(locations1 * mask1, axis=1)
    mask1_float = mask1.astype(jnp.float32)
    gates_masked = gates * mask1_float
    # _one_hot_to_float(locations1_s, capacity)
    locations1_sc = jax.nn.one_hot(locations1_s, capacity, dtype=jnp.float32)
    # einsum('se,sc->sec', gates, locations1_sc)
    combine_weights = gates_masked[:, :, None] * locations1_sc[:, None, :]
    dispatch_mask = combine_weights.astype(bool)
    return (combine_weights, dispatch_mask, l_loss)

if __name__ == "__main__":
    import jax
    _d = setup_inputs()
    print(jax.jit(kernel)(*tuple(_d.values())))

</pallas_src>

<mosaic_0001>
module attributes {stable_mosaic.version = 14 : i64} {
  func.func @_gate_kernel(%arg0: i32, %arg1: memref<256x1024xf32, #tpu.memory_space<vmem>>, %arg2: memref<1024x64xf32, #tpu.memory_space<vmem>>, %arg3: memref<256x64x128xf32, #tpu.memory_space<vmem>>, %arg4: memref<256x256xi32, #tpu.memory_space<vmem>>, %arg5: memref<1x1xf32, #tpu.memory_space<vmem>>, %arg6: memref<1x64xf32, #tpu.memory_space<vmem>>, %arg7: memref<1x64xf32, #tpu.memory_space<vmem>>) attributes {dimension_semantics = [#tpu.dimension_semantics<arbitrary>], iteration_bounds = array<i64: 16>, scalar_prefetch = 0 : i64, scratch_operands = 2 : i64, tpu.core_type = #tpu.core_type<tc>, window_params = [{transform_indices = @transform_0, window_bounds = array<i64: 256, 1024>}, {pipeline_mode = #tpu.pipeline_mode<synchronous>, transform_indices = @transform_1, window_bounds = array<i64: 1024, 64>}, {transform_indices = @transform_2, window_bounds = array<i64: 256, 64, 128>}, {transform_indices = @transform_3, window_bounds = array<i64: 256, 256>}, {pipeline_mode = #tpu.pipeline_mode<synchronous>, transform_indices = @transform_4, window_bounds = array<i64: 1, 1>}]} {
    %eq3A = arith.constant 0 : i32
    %eq3A_0 = arith.cmpi eq, %arg0, %eq3A : i32
    %convert_element_type3A = arith.extui %eq3A_0 : i1 to i32
    %cond3A = arith.constant 0 : i32
    %cond3A_1 = arith.cmpi ne, %convert_element_type3A, %cond3A : i32
    scf.if %cond3A_1 {
      %broadcast_in_dim3A_112 = arith.constant 0.000000e+00 : f32
      %broadcast_in_dim3A_113 = vector.broadcast %broadcast_in_dim3A_112 : f32 to vector<1x64xf32>
      %swap3A_114 = arith.constant 0 : index
      %swap3A_115 = arith.constant 0 : index
      %swap3A_116 = vector.load %arg6[%swap3A_114, %swap3A_115] : memref<1x64xf32, #tpu.memory_space<vmem>>, vector<1x64xf32>
      tpu.vector_store %arg6[%swap3A_114, %swap3A_115], %broadcast_in_dim3A_113 {strides = array<i32>} : memref<1x64xf32, #tpu.memory_space<vmem>>, vector<1x64xf32>,
      %broadcast_in_dim3A_117 = arith.constant 0.000000e+00 : f32
      %broadcast_in_dim3A_118 = vector.broadcast %broadcast_in_dim3A_117 : f32 to vector<1x64xf32>
      %swap3A_119 = arith.constant 0 : index
      %swap3A_120 = arith.constant 0 : index
      %swap3A_121 = vector.load %arg7[%swap3A_119, %swap3A_120] : memref<1x64xf32, #tpu.memory_space<vmem>>, vector<1x64xf32>
      tpu.vector_store %arg7[%swap3A_119, %swap3A_120], %broadcast_in_dim3A_118 {strides = array<i32>} : memref<1x64xf32, #tpu.memory_space<vmem>>, vector<1x64xf32>,
    } else {
    }
    %get3A = arith.constant 0 : index
    %get3A_2 = arith.constant 0 : index
    %get3A_3 = vector.load %arg1[%get3A, %get3A_2] : memref<256x1024xf32, #tpu.memory_space<vmem>>, vector<256x1024xf32>
    %get3A_4 = arith.constant 0 : index
    %get3A_5 = arith.constant 0 : index
    %get3A_6 = vector.load %arg2[%get3A_4, %get3A_5] : memref<1024x64xf32, #tpu.memory_space<vmem>>, vector<1024x64xf32>
    %dot_general3A = arith.constant dense<0.000000e+00> : vector<256x64xf32>
    %dot_general3A_7 = tpu.matmul %get3A_3, %get3A_6, %dot_general3A {dimension_numbers = #tpu.dot_dimension_numbers<[1], [0], [0], [1], [0, 0, 1, 1], [], []>, transpose_lhs_hint = false} : vector<256x1024xf32>, vector<1024x64xf32>, vector<256x64xf32> -> vector<256x64xf32>
    %reduce_max3A = arith.constant dense<0xFF800000> : vector<256xf32>
    %reduce_max3A_8 = vector.multi_reduction <maximumf>, %dot_general3A_7, %reduce_max3A [1] : vector<256x64xf32> to vector<256xf32>
    %broadcast_in_dim3A = vector.shape_cast %reduce_max3A_8 : vector<256xf32> to vector<256x1xf32>
    %sub3A = vector.broadcast %broadcast_in_dim3A : vector<256x1xf32> to vector<256x64xf32>
    %sub3A_9 = arith.subf %dot_general3A_7, %sub3A : vector<256x64xf32>
    %exp3A = math.exp %sub3A_9 : vector<256x64xf32>
    %reduce_sum3A = arith.constant dense<0.000000e+00> : vector<256xf32>
    %reduce_sum3A_10 = vector.multi_reduction <add>, %exp3A, %reduce_sum3A [1] : vector<256x64xf32> to vector<256xf32>
    %broadcast_in_dim3A_11 = vector.shape_cast %reduce_sum3A_10 : vector<256xf32> to vector<256x1xf32>
    %div3A = vector.broadcast %broadcast_in_dim3A_11 : vector<256x1xf32> to vector<256x64xf32>
    %div3A_12 = arith.divf %exp3A, %div3A : vector<256x64xf32>
    %iota3A = tpu.iota {dimensions = array<i32: 1>} : vector<256x64xi32>
    %eq3A_13 = vector.broadcast %broadcast_in_dim3A : vector<256x1xf32> to vector<256x64xf32>
    %eq3A_14 = arith.cmpf oeq, %dot_general3A_7, %eq3A_13 : vector<256x64xf32>
    %jit3A = arith.constant 64 : i32
    %broadcast_in_dim3A_15 = vector.broadcast %jit3A : i32 to vector<256x64xi32>
    %select_n3A = arith.select %eq3A_14, %iota3A, %broadcast_in_dim3A_15 : vector<256x64xi1>, vector<256x64xi32>
    %reduce_min3A = arith.constant dense<2147483647> : vector<256xi32>
    %reduce_min3A_16 = vector.multi_reduction <minsi>, %select_n3A, %reduce_min3A [1] : vector<256x64xi32> to vector<256xi32>
    %broadcast_in_dim3A_17 = vector.shape_cast %reduce_min3A_16 : vector<256xi32> to vector<256x1xi32>
    %eq3A_18 = vector.broadcast %broadcast_in_dim3A_17 : vector<256x1xi32> to vector<256x64xi32>
    %eq3A_19 = arith.cmpi eq, %iota3A, %eq3A_18 : vector<256x64xi32>
    %convert_element_type3A_20 = arith.extui %eq3A_19 : vector<256x64xi1> to vector<256x64xi32>
    %convert_element_type3A_21 = arith.sitofp %convert_element_type3A_20 : vector<256x64xi32> to vector<256x64xf32>
    %iota3A_22 = tpu.iota {dimensions = array<i32: 0>} : vector<256x256xi32>
    %iota3A_23 = tpu.iota {dimensions = array<i32: 1>} : vector<256x256xi32>
    %ge3A = arith.cmpi sge, %iota3A_22, %iota3A_23 : vector<256x256xi32>
    %convert_element_type3A_24 = arith.extui %ge3A : vector<256x256xi1> to vector<256x256xi32>
    %convert_element_type3A_25 = arith.sitofp %convert_element_type3A_24 : vector<256x256xi32> to vector<256x256xf32>
    %dot_general3A_26 = arith.constant dense<0.000000e+00> : vector<256x64xf32>
    %dot_general3A_27 = tpu.matmul %convert_element_type3A_25, %convert_element_type3A_21, %dot_general3A_26 {dimension_numbers = #tpu.dot_dimension_numbers<[1], [0], [0], [1], [0, 0, 1, 1], [], []>, transpose_lhs_hint = false} : vector<256x256xf32>, vector<256x64xf32>, vector<256x64xf32> -> vector<256x64xf32>
    %get3A_28 = arith.constant 0 : index
    %get3A_29 = arith.constant 0 : index
    %get3A_30 = vector.load %arg6[%get3A_28, %get3A_29] : memref<1x64xf32, #tpu.memory_space<vmem>>, vector<1x64xf32>
    %sub3A_31 = arith.constant 1.000000e+00 : f32
    %sub3A_32 = vector.broadcast %sub3A_31 : f32 to vector<256x64xf32>
    %sub3A_33 = arith.subf %dot_general3A_27, %sub3A_32 : vector<256x64xf32>
    %add3A = vector.broadcast %get3A_30 : vector<1x64xf32> to vector<256x64xf32>
    %add3A_34 = arith.addf %sub3A_33, %add3A : vector<256x64xf32>
    %mul3A = arith.mulf %add3A_34, %convert_element_type3A_21 : vector<256x64xf32>
    %reduce_sum3A_35 = arith.constant dense<0.000000e+00> : vector<256xf32>
    %reduce_sum3A_36 = vector.multi_reduction <add>, %mul3A, %reduce_sum3A_35 [1] : vector<256x64xf32> to vector<256xf32>
    %broadcast_in_dim3A_37 = vector.shape_cast %reduce_sum3A_36 : vector<256xf32> to vector<256x1xf32>
    %lt3A = arith.constant 1.280000e+02 : f32
    %lt3A_38 = vector.broadcast %lt3A : f32 to vector<256x1xf32>
    %lt3A_39 = arith.cmpf olt, %broadcast_in_dim3A_37, %lt3A_38 : vector<256x1xf32>
    %mul3A_40 = arith.mulf %div3A_12, %convert_element_type3A_21 : vector<256x64xf32>
    %reduce_sum3A_41 = arith.constant dense<0.000000e+00> : vector<256xf32>
    %reduce_sum3A_42 = vector.multi_reduction <add>, %mul3A_40, %reduce_sum3A_41 [1] : vector<256x64xf32> to vector<256xf32>
    %broadcast_in_dim3A_43 = vector.shape_cast %reduce_sum3A_42 : vector<256xf32> to vector<256x1xf32>
    %mul3A_44 = arith.constant 128 : i32
    %mul3A_45 = vector.broadcast %mul3A_44 : i32 to vector<256x1xi32>
    %mul3A_46 = arith.muli %broadcast_in_dim3A_17, %mul3A_45 : vector<256x1xi32>
    %convert_element_type3A_47 = arith.fptosi %broadcast_in_dim3A_37 : vector<256x1xf32> to vector<256x1xi32>
    %add3A_48 = arith.addi %mul3A_46, %convert_element_type3A_47 : vector<256x1xi32>
    %jit3A_49 = arith.constant -1 : i32
    %broadcast_in_dim3A_50 = vector.broadcast %jit3A_49 : i32 to vector<256x1xi32>
    %select_n3A_51 = arith.select %lt3A_39, %add3A_48, %broadcast_in_dim3A_50 : vector<256x1xi1>, vector<256x1xi32>
    %iota3A_52 = tpu.iota {dimensions = array<i32: 1>} : vector<256x64x128xi32>
    %mul3A_53 = arith.constant 128 : i32
    %mul3A_54 = vector.broadcast %mul3A_53 : i32 to vector<256x64x128xi32>
    %mul3A_55 = arith.muli %iota3A_52, %mul3A_54 : vector<256x64x128xi32>
    %iota3A_56 = tpu.iota {dimensions = array<i32: 2>} : vector<256x64x128xi32>
    %add3A_57 = arith.addi %mul3A_55, %iota3A_56 : vector<256x64x128xi32>
    %broadcast_in_dim3A_58 = vector.shape_cast %select_n3A_51 : vector<256x1xi32> to vector<256x1x1xi32>
    %eq3A_59 = vector.broadcast %broadcast_in_dim3A_58 : vector<256x1x1xi32> to vector<256x64x128xi32>
    %eq3A_60 = arith.cmpi eq, %add3A_57, %eq3A_59 : vector<256x64x128xi32>
    %broadcast_in_dim3A_61 = vector.shape_cast %broadcast_in_dim3A_43 : vector<256x1xf32> to vector<256x1x1xf32>
    %jit3A_62 = arith.constant 0.000000e+00 : f32
    %broadcast_in_dim3A_63 = vector.shape_cast %broadcast_in_dim3A_61 : vector<256x1x1xf32> to vector<256x1x1xf32>
    %broadcast_in_dim3A_64 = vector.broadcast %broadcast_in_dim3A_63 : vector<256x1x1xf32> to vector<256x64x128xf32>
    %broadcast_in_dim3A_65 = vector.broadcast %jit3A_62 : f32 to vector<256x64x128xf32>
    %select_n3A_66 = arith.select %eq3A_60, %broadcast_in_dim3A_64, %broadcast_in_dim3A_65 : vector<256x64x128xi1>, vector<256x64x128xf32>
    %swap3A = arith.constant 0 : index
    %swap3A_67 = arith.constant 0 : index
    %swap3A_68 = arith.constant 0 : index
    %swap3A_69 = vector.load %arg3[%swap3A, %swap3A_67, %swap3A_68] : memref<256x64x128xf32, #tpu.memory_space<vmem>>, vector<256x64x128xf32>
    tpu.vector_store %arg3[%swap3A, %swap3A_67, %swap3A_68], %select_n3A_66 {strides = array<i32>} : memref<256x64x128xf32, #tpu.memory_space<vmem>>, vector<256x64x128xf32>,
    %shift_right_arithmetic3A = arith.constant 5 : i32
    %shift_right_arithmetic3A_70 = vector.broadcast %shift_right_arithmetic3A : i32 to vector<256x1xi32>
    %shift_right_arithmetic3A_71 = arith.shrsi %select_n3A_51, %shift_right_arithmetic3A_70 : vector<256x1xi32>
    %jit3A_72 = arith.constant -1 : i32
    %broadcast_in_dim3A_73 = vector.broadcast %jit3A_72 : i32 to vector<256x1xi32>
    %select_n3A_74 = arith.select %lt3A_39, %shift_right_arithmetic3A_71, %broadcast_in_dim3A_73 : vector<256x1xi1>, vector<256x1xi32>
    %and3A = arith.constant 31 : i32
    %and3A_75 = vector.broadcast %and3A : i32 to vector<256x1xi32>
    %and3A_76 = arith.andi %select_n3A_51, %and3A_75 : vector<256x1xi32>
    %shift_left3A = arith.constant 1 : i32
    %shift_left3A_77 = vector.broadcast %shift_left3A : i32 to vector<256x1xi32>
    %shift_left3A_78 = arith.shli %shift_left3A_77, %and3A_76 : vector<256x1xi32>
    %iota3A_79 = tpu.iota {dimensions = array<i32: 1>} : vector<256x256xi32>
    %eq3A_80 = vector.broadcast %select_n3A_74 : vector<256x1xi32> to vector<256x256xi32>
    %eq3A_81 = arith.cmpi eq, %iota3A_79, %eq3A_80 : vector<256x256xi32>
    %jit3A_82 = arith.constant 0 : i32
    %broadcast_in_dim3A_83 = vector.shape_cast %shift_left3A_78 : vector<256x1xi32> to vector<256x1xi32>
    %broadcast_in_dim3A_84 = vector.broadcast %broadcast_in_dim3A_83 : vector<256x1xi32> to vector<256x256xi32>
    %broadcast_in_dim3A_85 = vector.broadcast %jit3A_82 : i32 to vector<256x256xi32>
    %select_n3A_86 = arith.select %eq3A_81, %broadcast_in_dim3A_84, %broadcast_in_dim3A_85 : vector<256x256xi1>, vector<256x256xi32>
    %swap3A_87 = arith.constant 0 : index
    %swap3A_88 = arith.constant 0 : index
    %swap3A_89 = vector.load %arg4[%swap3A_87, %swap3A_88] : memref<256x256xi32, #tpu.memory_space<vmem>>, vector<256x256xi32>
    tpu.vector_store %arg4[%swap3A_87, %swap3A_88], %select_n3A_86 {strides = array<i32>} : memref<256x256xi32, #tpu.memory_space<vmem>>, vector<256x256xi32>,
    %reduce_sum3A_90 = arith.constant dense<0.000000e+00> : vector<64xf32>
    %reduce_sum3A_91 = vector.multi_reduction <add>, %convert_element_type3A_21, %reduce_sum3A_90 [0] : vector<256x64xf32> to vector<64xf32>
    %broadcast_in_dim3A_92 = vector.shape_cast %reduce_sum3A_91 : vector<64xf32> to vector<1x64xf32>
    %add3A_93 = arith.addf %get3A_30, %broadcast_in_dim3A_92 : vector<1x64xf32>
    %swap3A_94 = arith.constant 0 : index
    %swap3A_95 = arith.constant 0 : index
    %swap3A_96 = vector.load %arg6[%swap3A_94, %swap3A_95] : memref<1x64xf32, #tpu.memory_space<vmem>>, vector<1x64xf32>
    tpu.vector_store %arg6[%swap3A_94, %swap3A_95], %add3A_93 {strides = array<i32>} : memref<1x64xf32, #tpu.memory_space<vmem>>, vector<1x64xf32>,
    %get3A_97 = arith.constant 0 : index
    %get3A_98 = arith.constant 0 : index
    %get3A_99 = vector.load %arg7[%get3A_97, %get3A_98] : memref<1x64xf32, #tpu.memory_space<vmem>>, vector<1x64xf32>
    %reduce_sum3A_100 = arith.constant dense<0.000000e+00> : vector<64xf32>
    %reduce_sum3A_101 = vector.multi_reduction <add>, %div3A_12, %reduce_sum3A_100 [0] : vector<256x64xf32> to vector<64xf32>
    %broadcast_in_dim3A_102 = vector.shape_cast %reduce_sum3A_101 : vector<64xf32> to vector<1x64xf32>
    %add3A_103 = arith.addf %get3A_99, %broadcast_in_dim3A_102 : vector<1x64xf32>
    %swap3A_104 = arith.constant 0 : index
    %swap3A_105 = arith.constant 0 : index
    %swap3A_106 = vector.load %arg7[%swap3A_104, %swap3A_105] : memref<1x64xf32, #tpu.memory_space<vmem>>, vector<1x64xf32>
    tpu.vector_store %arg7[%swap3A_104, %swap3A_105], %add3A_103 {strides = array<i32>} : memref<1x64xf32, #tpu.memory_space<vmem>>, vector<1x64xf32>,
    %eq3A_107 = arith.constant 15 : i32
    %eq3A_108 = arith.cmpi eq, %arg0, %eq3A_107 : i32
    %convert_element_type3A_109 = arith.extui %eq3A_108 : i1 to i32
    %cond3A_110 = arith.constant 0 : i32
    %cond3A_111 = arith.cmpi ne, %convert_element_type3A_109, %cond3A_110 : i32
    scf.if %cond3A_111 {
      %get3A_112 = arith.constant 0 : index
      %get3A_113 = arith.constant 0 : index
      %get3A_114 = vector.load %arg7[%get3A_112, %get3A_113] : memref<1x64xf32, #tpu.memory_space<vmem>>, vector<1x64xf32>
      %get3A_115 = arith.constant 0 : index
      %get3A_116 = arith.constant 0 : index
      %get3A_117 = vector.load %arg6[%get3A_115, %get3A_116] : memref<1x64xf32, #tpu.memory_space<vmem>>, vector<1x64xf32>
      %mul3A_118 = arith.mulf %get3A_114, %get3A_117 : vector<1x64xf32>
      %reduce_sum3A_119 = vector.shape_cast %mul3A_118 : vector<1x64xf32> to vector<1x1x64xf32>
      %reduce_sum3A_120 = arith.constant dense<0.000000e+00> : vector<1xf32>
      %reduce_sum3A_121 = vector.multi_reduction <add>, %reduce_sum3A_119, %reduce_sum3A_120 [1, 2] : vector<1x1x64xf32> to vector<1xf32>
      %reduce_sum3A_122 = vector.shape_cast %reduce_sum3A_121 : vector<1xf32> to vector<1x1x1xf32>
      %reduce_sum3A_123 = vector.extract %reduce_sum3A_122[0, 0, 0] : f32 from vector<1x1x1xf32>
      %broadcast_in_dim3A_124 = vector.broadcast %reduce_sum3A_123 : f32 to vector<1x1xf32>
      %mul3A_125 = arith.constant 3.81469727E-6 : f32
      %mul3A_126 = vector.broadcast %mul3A_125 : f32 to vector<1x1xf32>
      %mul3A_127 = arith.mulf %broadcast_in_dim3A_124, %mul3A_126 : vector<1x1xf32>
      %swap3A_128 = arith.constant 0 : index
      %swap3A_129 = arith.constant 0 : index
      %swap3A_130 = vector.load %arg5[%swap3A_128, %swap3A_129] : memref<1x1xf32, #tpu.memory_space<vmem>>, vector<1x1xf32>
      tpu.vector_store %arg5[%swap3A_128, %swap3A_129], %mul3A_127 {strides = array<i32>} : memref<1x1xf32, #tpu.memory_space<vmem>>, vector<1x1xf32>,
    } else {
    }
    return
  }
  func.func @transform_0(%arg0: i32) -> (i32, i32) {
    %c0_i32 = arith.constant 0 : i32
    %c0_i32_0 = arith.constant 0 : i32
    return %arg0, %c0_i32 : i32, i32
  }
  func.func @transform_1(%arg0: i32) -> (i32, i32) {
    %c0_i32 = arith.constant 0 : i32
    %c0_i32_0 = arith.constant 0 : i32
    %c0_i32_1 = arith.constant 0 : i32
    return %c0_i32, %c0_i32_0 : i32, i32
  }
  func.func @transform_2(%arg0: i32) -> (i32, i32, i32) {
    %c0_i32 = arith.constant 0 : i32
    %c0_i32_0 = arith.constant 0 : i32
    %c0_i32_1 = arith.constant 0 : i32
    return %arg0, %c0_i32, %c0_i32_0 : i32, i32, i32
  }
  func.func @transform_3(%arg0: i32) -> (i32, i32) {
    %c0_i32 = arith.constant 0 : i32
    %c0_i32_0 = arith.constant 0 : i32
    return %arg0, %c0_i32 : i32, i32
  }
  func.func @transform_4(%arg0: i32) -> (i32, i32) {
    %c0_i32 = arith.constant 0 : i32
    %c0_i32_0 = arith.constant 0 : i32
    %c0_i32_1 = arith.constant 0 : i32
    return %c0_i32, %c0_i32_0 : i32, i32
  }
}

</mosaic_0001>

<sc_bundles>
// kernel: sparse-core-data-format-call.cloned.1.call-start
scs
called_computation_lowered:
.L_overlay_start_0:
0x0: {  	s2 =	sld [smem:$0x3FD9]  }
0x1: {  	s3 =	sld [smem:$0x3FFE];
	_ =	sdelay $0x1  }
0x2: {  	s1 =	srdreg.scid  }
0x3: {  	s0 =	sand.u32 $0x1, s1  }
0x4: {  	s15 =	sshll.u32 s0, $0xA;
	s2 =	sadd.s32 s3, s2  }
0x5: {  	s2 =	sadd.s32 s2, s15  }
0x6: {  	[smem:$0x3FC6] =	sst s2  }
0x7: {  	_ = 	snop  }
0x8: {  	s2 =	sld [smem:$0x3FD0];
	_ =	sdelay $0x2  }
0x9: {  	s16 =	simm.s32 $0xA;
	s4 =	simm.s32 $0x10  }
0xa: {  	[smem:s4], [sflag:s16] =	dma.local [hbm:s2], $0x1  }
0xb: {  	_ =	swait.eq [sflag:s16], $0x1  }
0xc: {  	[sflag:s16] =	ssyncset.done $0x0  }
0xd: {  	[sflag:s16] =	ssyncadd.s32 $0xFFFFFFFF  }
0xe: {  	s17 =	sld [smem:$0x11];
	(tm) =	ssettm $0x1  }
0xf: {  	s18 =	sld [smem:$0x3FFB];
	_ =	sdelay $0x3  }
0x10: {  	_ =	strace s18  }
0x11: {  	s3 =	sld [smem:$0x3FFC];
	_ =	sdelay $0x3  }
0x12: {  	_ =	strace s3  }
0x13: {  	s3 =	sld [smem:$0x3FFD];
	_ =	sdelay $0x3  }
0x14: {  	_ =	strace s3  }
0x15: {  	_ =	strace $0x8FFFFFFF  }
0x16: {  	s19 =	sld [smem:$0x3FDB];
	_ =	sdelay $0x1  }
0x17: {  	s20 =	simm.s32 $_scs_section_size  }
0x18: {  	s5 =	simm.s32 $_size__tile_overlayer_lowered;
	s6 =	simm.s32 $_tile_overlayer_lowered  }
0x19: {  	s23 =	simm.s32 $0x1BFF;
	s22 =	sshll.u32 s6, $0x1;
	s3 =	sadd.s32 s20, s19  }
0x1a: {  	s7 =	simm.s32 $0x0;
	s21 =	sshll.u32 s5, $0x1;
	s5 =	sadd.s32 s22, s3  }
0x1b: {  	[timem:s7], [sflag:s23] =	dma.local [hbm:s5], s21  }
0x1c: {  	_ =	swait.ge [sflag:s23], s21  }
0x1d: {  	s4 =	ssub.s32 $0x0, s21;
	[sflag:s23] =	ssyncset.done $0x0  }
0x1e: {  	[sflag:s23] =	ssyncadd.s32 s4;
	_ =	sdelay $0x1  }
0x1f: {  	s24 =	simm.s32 $0x1B8B  }
0x20: {  	_ =	swait.ge [sflag:s24], $0x1  }
0x21: {  	[sflag:s24] =	ssyncset.done $0x0  }
0x22: {  	s26 =	simm.s32 $0x1B8E;
	s25 =	sld [smem:$0x3FFE];
	[sflag:s24] =	ssyncadd.s32 $0xFFFFFFFF  }
0x23: {  	s27 =	simm.s32 $execute0_lowered;
	[smem:$0x3FD2] =	sst s26  }
0x24: {  	s5 =	sshll.u32 s27, $0x1;
	_ =	strace $0x80000046;
	[dreg:$0x1] =	wrdreg $0xFFFFFFFF  }
0x25: {  	s28 =	simm.s32 $_size_execute0_lowered;
	s3 =	sadd.s32 s3, s5;
	[dreg:$0x0] =	wrdreg $0x0  }
0x26: {  	s5 =	sshll.u32 s28, $0x1;
	[dreg:$0x2] =	wrdreg s3  }
0x27: {  	[dreg:$0x3] =	wrdreg s5  }
0x28: {  	[dreg:$0x4] =	wrdreg $0xC0  }
0x29: {  	_ =	task [dreg:s7], $0x5FFFF  }
0x2a: {  	[dreg:$0x1] =	wrdreg $0xFFFFFFFF  }
0x2b: {  	[dreg:$0x0] =	wrdreg $0x60  }
0x2c: {  	[dreg:$0x2] =	wrdreg s25  }
0x2d: {  	[dreg:$0x3] =	wrdreg s17  }
0x2e: {  	[dreg:$0x4] =	wrdreg $0x9  }
0x2f: {  	_ =	task.clear_ibuf [dreg:s7], $0x5FFFF;
	_ =	strace $0x90000046  }
0x30: {  	s29 =	simm.s32 $0x9;
	_ =	strace $0x80000048  }
0x31: {  	_ =	swait.ge [sflag:s29], $0x1  }
0x32: {  	[sflag:s29] =	ssyncadd.s32 $0xFFFFFFFF  }
0x33: {  	_ =	strace $0x90000048  }
0x34: {  	_ =	sfence  }
0x35: {  	s30 =	sld [smem:$0x0];
	_ =	sdelay $0x2  }
0x36: {  	s31 =	sshll.u32 s1, $0xD;
	s1 =	sshrl.u32 s1, $0x2  }
0x37: {  	s3 =	sand.u32 $0x4000, s31;
	s1 =	sadd.s32 s1, s30  }
0x38: {  	s0 =	sor.u32 s3, s0;
	s1 =	sshll.u32 s1, $0x11  }
0x39: {  	s0 =	sor.u32 s1, s0  }
0x3a: {  	s0 =	sadd.s32 $0x8F2B, s0  }
0x3b: {  	[sflag:s0] =	ssyncadd.remote.s32 $0x1  }
0x3c: {  	_ =	sfence.sel $0xFFFF  }
0x3d: {  	[dreg:$0x0] =	wrdreg $0xFFFFFFFF;
	(pc) =	sbr.abs _section_cstart, $3  }
0x3e: {  	[dreg:$0x1] =	wrdreg $0xFFFFFFFF  }
0x3f: {  	_ =	task.clear_ibuf [dreg:s7], $0x2FFFF;
	_ =	strace $0x9FFFFFFF  }
0x40: {  	(tm) =	ssettm $0x7FFFFFFF  }
0x41: {  	_ =	shalt  }
tec
execute0_lowered:
.L_overlay_start_1:
0x0: {  	(tag) =	ssettag $0x1  }
0x1: {  	s0 =	stileid.u32  }
0x2: {  	s2 =	srdreg.scid;
	s7 =	rddreg [dreg:$0x0];
	s8 =	simm.s32 $0x1  }
0x3: {  	s31 =	simm.s32 $0x2;
	s15 =	simm.s32 $0x0;
	s14 =	simm.s32 $0x0  }
0x4: {  	s16 =	simm.s32 $0x0;
	s11 =	simm.s32 $0x0;
	s13 =	simm.s32 $0x0  }
0x5: {  	s1 =	sshll.u32 s0, $0x2;
	s3 =	sshll.u32 s2, $0x7;
	s2 =	rddreg [dreg:$0x1]  }
0x6: {  	s7 =	sadd.s32 $0x400800, s7;
	s3 =	sand.u32 $0x80, s3;
	s4 =	ssub.s32 $0x40, s1  }
0x7: {  	s5 =	sshrl.u32 s4, $0x6;
	s4 =	sand.u32 $0x3C, s4;
	s6 =	ssub.s32 $0x1000, s3  }
0x8: {  	p0 =	sne.s32 s4, $0x0;
	s30 =	sshrl.u32 s6, $0x7;
	s6 =	sshrl.u32 s6, $0x8  }
.Ltmp0:
0x9: {  	s8 =	simm.s32 @!p0 $0x0;
	s9 =	sand.u32 $0x1, s30;
	(pc) =	sbr.rel .LBB1_1-.Ltmp0, $4  }
0xa: {  	s4 =	rddreg [dreg:$0x2];
	s8 =	sadd.s32 s8, s5;
	s6 =	sadd.s32 s6, s9  }
0xb: {  	_ =	strace $0x80000047;
	s5 =	simm.s32 $0x1;
	s6 =	smul.u32 s8, s6  }
0xc: {  	s12 =	smov.u32 s1;
	s10 =	smov.u32 s3;
	[sflag:s5] =	ssyncpa.u1 $0x0  }
0xd: {  	s9 =	simm.s32 $0x800;
	[sflag:s31] =	ssyncpa.u1 $0x0;
	s8 =	sadd.s32 $0x1, s6  }
.LBB1_7:
0xe: {  	s17 =	sadd.s32 $0x100, s10  }
0xf: {  	s14 =	sadd.s32 $0x80, s11;
	s18 =	smov.u32 s11;
	p1 =	sgt.s32 s17, $0xFFF  }
0x10: {  	s18 =	smov.u32 @p1 s14  }
0x11: {  	s20 =	smov.u32 s12;
	s14 =	sadd.s32 $0x40, s12;
	p2 =	sgt.s32 s18, $0x7F  }
0x12: {  	s20 =	smov.u32 @p2 s14  }
0x13: {  	s17 =	smov.u32 @p1 s3;
	p1 =	sgt.s32 s20, $0x3F  }
0x14: {  	p0 =	slt.u32 s13, $0x2;
	s20 =	smov.u32 @p1 s1;
	p1 =	sne.s32 s13, s8  }
.Ltmp1:
0x15: {  	s19 =	simm.s32 @!p0 $0x2;
	(pc) =	sbr.rel @!p1 .LBB1_8-.Ltmp1, $4  }
0x16: {  	s15 =	smov.u32 s10;
	_ =	swait.ge @!p0 [sflag:s19], $0x4000  }
0x17: {  	s16 =	smov.u32 s12;
	[sflag:s19] =	ssyncset.done @!p0 $0x0;
	s10 =	smov.u32 s17  }
0x18: {  	s18 =	simm.s32 @p2 $0x0;
	s14 =	smov.u32 s11;
	[sflag:s19] =	ssyncadd.s32 @!p0 $0xFFFFC000  }
0x19: {  	s11 =	smov.u32 s18;
	s13 =	sadd.s32 $0x1, s13;
	s12 =	smov.u32 s20  }
.LBB1_1:
0x1a: {  	p0 =	sge.u32 s13, s6  }
0x1b: {  	s31 =	sadd.s32 $0xFFFFFFFF, s13;
	s17 =	sshll.u32 @!p0 s11, $0x7;
	s18 =	sshll.u32 @!p0 s10, $0x2  }
0x1c: {  	s19 =	sxor.u32 @!p0 $0xFFFFFFFF, s13;
	s20 =	sand.u32 @!p0 $0xE00, s17;
	s18 =	sand.u32 @!p0 $0x1E0, s18  }
0x1d: {  	s17 =	sand.u32 @!p0 $0x3000, s17;
	s18 =	sor.u32 @!p0 s20, s18;
	s20 =	sshll.u32 @!p0 s12, $0xE  }
0x1e: {  	s17 =	sadd.s32 @!p0 s10, s17;
	s18 =	sshrl.u32 @!p0 s18, $0x5;
	s20 =	sadd.s32 @!p0 s7, s20  }
0x1f: {  	s17 =	sand.u32 @!p0 $0x3F80, s17;
	s18 =	sadd.s32 @!p0 s18, s20;
	s20 =	sand.u32 @!p0 $0x7, s10  }
0x20: {  	s17 =	sadd.s32 @!p0 s17, s18;
	s18 =	sshll.u32 @!p0 s19, $0xE;
	s19 =	sshll.u32 @!p0 s20, $0x12  }
0x21: {  	s20 =	simm.s32 @!p0 $0x8000;
	s18 =	sand.u32 @!p0 $0x4000, s18;
	s19 =	sor.u32 @!p0 $0x400, s19  }
0x22: {  	[tilespmem:s18], [sflag:$0x1] =	stream.strided.gather @!p0 [hbm4b:s17+s19], $0x4000, s20, s19, $0x38;
	[tilespmem:$0x10100] =	vst v63  }
0x23: {  	p0 =	sge.u32 s31, s6  }
.Ltmp2:
0x24: {  	_ = 	snop;
	(pc) =	sbr.rel @p0 .LBB1_7-.Ltmp2, $1  }
0x25: {  	_ =	sdelay $0x3  }
0x26: {  	s17 =	sand.u32 $0x1, s13  }
0x27: {  	_ =	swait.ge [sflag:s5], $0x4000;
	s18 =	smul.u32 $0x10200, s17  }
0x28: {  	[sflag:s5] =	ssyncset.done $0x0  }
0x29: {  	[sflag:s5] =	ssyncadd.s32 $0xFFFFC000;
	s19 =	sshrl.u32 s18, $0x2  }
0x2a: {  	s18 =	sshll.u32 s17, $0xE;
	s17 =	sor.u32 $0x8000, s19;
	s19 =	simm.s32 $0x0  }
.LBB1_3:
0x2b: {  	s20 =	sshll.u32 s19, $0x5  }
0x2c: {  	s20 =	sand.u32 $0x3FFFFFE0, s20  }
0x2d: {  	s24 =	sadd.s32 s20, s18  }
0x2e: {  	v0 =	vmov s24  }
0x2f: {  	s31 =	sshll.u32 s19, $0x2  }
0x30: {  	p0 =	por $0x1, $0x1;
	s21 =	sor.u32 $0x4, s31;
	s22 =	sor.u32 $0x8, s31  }
0x31: {  	s23 =	sor.u32 $0xC, s31;
	s20 =	sshrl.u32 s31, $0x2;
	s21 =	sshrl.u32 s21, $0x2  }
0x32: {  	s22 =	sshrl.u32 s22, $0x2;
	s23 =	sshrl.u32 s23, $0x2;
	s24 =	simm.s32 $0x0  }
.LBB1_4:
0x33: {  	v1 =	vld.idx.msk [tilespmem:v0+s24+$0x0 ss:$0x1], $0xffff  }
0x34: {  	v2 =	vld.idx.msk [tilespmem:v0+s24+$0x1000 ss:$0x1], $0xffff;
	_ =	sdelay $0x1  }
0x35: {  	v3 =	vld.idx.msk [tilespmem:v0+s24+$0x2000 ss:$0x1], $0xffff  }
0x36: {  	v6 =	vld.idx.msk [tilespmem:v0+s24+$0x3000 ss:$0x1], $0xffff  }
0x37: {  	v17 =	vld.idx.msk [tilespmem:v0+s24+$0x10 ss:$0x1], $0xffff;
	v4 =	vshrl.u32 v1, $0x10;
	v5 =	vshrl.u32 v1, $0x8  }
0x38: {  	v7 =	vshrl.u32 v1, $0x18;
	v1 =	vand.u32 $0xFF, v1;
	v8 =	vshrl.u32 v2, $0x10  }
0x39: {  	v47 =	vld.idx.msk [tilespmem:v0+s24+$0x1010 ss:$0x1], $0xffff;
	v9 =	vshrl.u32 v2, $0x8;
	v10 =	vshrl.u32 v2, $0x18;
	v2 =	vand.u32 $0xFF, v2  }
0x3a: {  	v51 =	vld.idx.msk [tilespmem:v0+s24+$0x2010 ss:$0x1], $0xffff;
	v11 =	vshrl.u32 v3, $0x10;
	v12 =	vshrl.u32 v3, $0x8;
	v13 =	vshrl.u32 v3, $0x18  }
0x3b: {  	v54 =	vld.idx.msk [tilespmem:v0+s24+$0x3010 ss:$0x1], $0xffff;
	v3 =	vand.u32 $0xFF, v3;
	v14 =	vshrl.u32 v6, $0x18;
	v15 =	vshrl.u32 v6, $0x10  }
0x3c: {  	v16 =	vshrl.u32 v6, $0x8;
	v6 =	vand.u32 $0xFF, v6;
	v52 =	vshrl.u32 v17, $0x10  }
0x3d: {  	v53 =	vshrl.u32 v17, $0x8;
	v55 =	vshrl.u32 v17, $0x18;
	v56 =	vand.u32 $0xFF, v17  }
0x3e: {  	v57 =	vshrl.u32 v47, $0x10;
	v58 =	vshrl.u32 v47, $0x8;
	v59 =	vshrl.u32 v47, $0x18  }
0x3f: {  	v60 =	vshrl.u32 v51, $0x10;
	v61 =	vshrl.u32 v51, $0x8;
	v62 =	vshrl.u32 v51, $0x18  }
0x40: {  	s25 =	sor.u32 $0x20, s24;
	v18 =	vshrl.u32 v54, $0x18;
	v19 =	vshrl.u32 v54, $0x10;
	v20 =	vshrl.u32 v54, $0x8  }
0x41: {  	v63 =	vld.idx.msk [tilespmem:v0+s25+$0x0 ss:$0x1], $0xffff;
	v4 =	vand.u32 $0xFF, v4;
	v5 =	vand.u32 $0xFF, v5;
	v8 =	vand.u32 $0xFF, v8  }
0x42: {  	v23 =	vld.idx.msk [tilespmem:v0+s25+$0x1000 ss:$0x1], $0xffff;
	v9 =	vand.u32 $0xFF, v9;
	v11 =	vand.u32 $0xFF, v11;
	v12 =	vand.u32 $0xFF, v12  }
0x43: {  	v25 =	vld.idx.msk [tilespmem:v0+s25+$0x2000 ss:$0x1], $0xffff;
	v15 =	vand.u32 $0xFF, v15;
	v16 =	vand.u32 $0xFF, v16;
	v1 =	vpack.i.b32.b16 v3, v1  }
0x44: {  	v28 =	vld.idx.msk [tilespmem:v0+s25+$0x3000 ss:$0x1], $0xffff;
	v2 =	vpack.i.b32.b16 v6, v2;
	v49 =	vpack.i.b32.b16 v13, v7;
	v50 =	vpack.i.b32.b16 v14, v10  }
0x45: {  	v6 =	vand.u32 $0xFF, v52;
	v13 =	vand.u32 $0xFF, v58;
	v7 =	vand.u32 $0xFF, v51  }
0x46: {  	v19 =	vand.u32 $0xFF, v19;
	v20 =	vand.u32 $0xFF, v20;
	v26 =	vpack.i.b32.b16 v62, v55  }
0x47: {  	v27 =	vpack.i.b32.b16 v18, v59;
	v29 =	vshrl.u32 v63, $0x10;
	v30 =	vshrl.u32 v63, $0x8  }
0x48: {  	v31 =	vshrl.u32 v63, $0x18;
	v32 =	vshrl.u32 v23, $0x10;
	v33 =	vshrl.u32 v23, $0x8  }
0x49: {  	s26 =	smul.u32 $0x204, s24;
	s24 =	sor.u32 $0x30, s24;
	v34 =	vshrl.u32 v23, $0x18;
	v35 =	vand.u32 $0xFF, v25;
	v36 =	vand.u32 $0xFF, v28  }
0x4a: {  	s27 =	sand.u32 $0x60, s24;
	v37 =	vshrl.u32 v25, $0x8;
	v38 =	vshrl.u32 v28, $0x8;
	v39 =	vshrl.u32 v25, $0x18  }
0x4b: {  	v40 =	vld.idx.msk [tilespmem:v0+s27+$0x10 ss:$0x1], $0xffff;
	v41 =	vshrl.u32 v28, $0x10;
	v1 =	vpack.i.b16.b8 v2, v1;
	v2 =	vpack.i.b32.b16 v12, v5  }
0x4c: {  	v43 =	vld.idx.msk [tilespmem:v0+s27+$0x1010 ss:$0x1], $0xffff;
	v3 =	vpack.i.b32.b16 v16, v9;
	v48 =	vpack.i.b32.b16 v15, v8;
	v8 =	vand.u32 $0xFF, v53  }
0x4d: {  	v12 =	vand.u32 $0xFF, v57;
	v5 =	vand.u32 $0xFF, v47;
	v15 =	vand.u32 $0xFF, v60  }
0x4e: {  	v46 =	vld.idx.msk [tilespmem:v0+s27+$0x2010 ss:$0x1], $0xffff;
	v16 =	vand.u32 $0xFF, v61;
	v9 =	vand.u32 $0xFF, v54;
	v7 =	vpack.i.b32.b16 v7, v56  }
0x4f: {  	v22 =	vpack.i.b32.b16 v20, v13;
	v10 =	vand.u32 $0xFF, v29;
	v14 =	vand.u32 $0xFF, v30  }
0x50: {  	v17 =	vand.u32 $0xFF, v33;
	v20 =	vand.u32 $0xFF, v38;
	v42 =	vand.u32 $0xFF, v41  }
0x51: {  	v45 =	vpack.i.b32.b16 v39, v31;
	v47 =	vshrl.u32 v40, $0x8;
	v51 =	vshrl.u32 v43, $0x10  }
0x52: {  	v52 =	vshrl.u32 v43, $0x8;
	v53 =	vshrl.u32 v43, $0x18;
	v54 =	vand.u32 $0xFF, v43  }
0x53: {  	v55 =	vshrl.u32 v46, $0x10;
	v56 =	vshrl.u32 v46, $0x8;
	v57 =	vshrl.u32 v46, $0x18  }
0x54: {  	v58 =	vand.u32 $0xFF, v46;
	v2 =	vpack.i.b16.b8 v3, v2;
	v3 =	vpack.i.b32.b16 v11, v4  }
0x55: {  	v4 =	vpack.i.b16.b8 v50, v49;
	v5 =	vpack.i.b32.b16 v9, v5;
	v21 =	vpack.i.b32.b16 v16, v8  }
0x56: {  	s26 =	sshra.s32 s26, $0x2;
	v6 =	vpack.i.b32.b16 v15, v6;
	v24 =	vpack.i.b32.b16 v19, v12;
	v8 =	vpack.i.b16.b8 v27, v26  }
0x57: {  	s26 =	sadd.s32 s26, s17;
	v11 =	vand.u32 $0xFF, v63;
	v16 =	vand.u32 $0xFF, v32;
	v9 =	vand.u32 $0xFF, v23  }
0x58: {  	s28 =	sadd.s32 s20, s26;
	v19 =	vand.u32 $0xFF, v37;
	v12 =	vshrl.u32 v25, $0x10;
	v17 =	vpack.i.b32.b16 v20, v17  }
0x59: {  	s29 =	sadd.s32 s21, s26;
	[tilespmem:s28+$0x0 ss:$0x81] =	vst.msk $0xffff, v1;
	v49 =	vshrl.u32 v40, $0x18;
	v50 =	vand.u32 $0xFF, v40;
	v13 =	vand.u32 $0xFF, v51  }
0x5a: {  	s30 =	sadd.s32 s22, s26;
	s31 =	sadd.s32 s23, s26;
	s26 =	sadd.s32 $0x810, s26;
	v15 =	vand.u32 $0xFF, v52;
	v3 =	vpack.i.b16.b8 v48, v3;
	v5 =	vpack.i.b16.b8 v5, v7;
	[tilespmem:s29+$0x0 ss:$0x81] =	vst.msk $0xffff, v2  }
0x5b: {  	s25 =	smul.u32 $0x204, s25;
	s28 =	sadd.s32 s20, s26;
	v7 =	vpack.i.b16.b8 v22, v21;
	v6 =	vpack.i.b16.b8 v24, v6;
	v11 =	vpack.i.b32.b16 v35, v11;
	[tilespmem:s30+$0x0 ss:$0x81] =	vst.msk $0xffff, v3  }
0x5c: {  	v9 =	vpack.i.b32.b16 v36, v9;
	v14 =	vpack.i.b32.b16 v19, v14;
	v1 =	vand.u32 $0xFF, v12;
	[tilespmem:s28+$0x0 ss:$0x81] =	vst.msk $0xffff, v5  }
0x5d: {  	s25 =	sshra.s32 s25, $0x2;
	v2 =	vshrl.u32 v28, $0x18;
	v44 =	vpack.i.b32.b16 v42, v16;
	v48 =	vld.idx.msk [tilespmem:v0+s27+$0x3010 ss:$0x1], $0xffff;
	s29 =	sadd.s32 s21, s26;
	v16 =	vand.u32 $0xFF, v55;
	[tilespmem:s31+$0x0 ss:$0x81] =	vst.msk $0xffff, v4  }
0x5e: {  	s25 =	sadd.s32 s25, s17;
	v9 =	vpack.i.b16.b8 v9, v11;
	v14 =	vpack.i.b16.b8 v17, v14;
	v1 =	vpack.i.b32.b16 v1, v10;
	s30 =	sadd.s32 s22, s26;
	[tilespmem:s29+$0x0 ss:$0x81] =	vst.msk $0xffff, v7  }
0x5f: {  	v2 =	vpack.i.b32.b16 v2, v34;
	v3 =	vshrl.u32 v40, $0x10;
	v10 =	vand.u32 $0xFF, v47;
	s31 =	sadd.s32 s20, s25;
	[tilespmem:s30+$0x0 ss:$0x81] =	vst.msk $0xffff, v6  }
0x60: {  	s24 =	smul.u32 $0x204, s24;
	s26 =	sadd.s32 s23, s26;
	v17 =	vand.u32 $0xFF, v56;
	v5 =	vpack.i.b32.b16 v58, v50;
	v1 =	vpack.i.b16.b8 v44, v1;
	[tilespmem:s31+$0x0 ss:$0x81] =	vst.msk $0xffff, v9  }
0x61: {  	s27 =	sadd.s32 s21, s25;
	v2 =	vpack.i.b16.b8 v2, v45;
	v3 =	vand.u32 $0xFF, v3;
	v62 =	vpack.i.b32.b16 v17, v10;
	[tilespmem:s26+$0x0 ss:$0x81] =	vst.msk $0xffff, v8  }
0x62: {  	s24 =	sshra.s32 s24, $0x2;
	s28 =	sadd.s32 s22, s25;
	v3 =	vpack.i.b32.b16 v16, v3;
	[tilespmem:s27+$0x0 ss:$0x81] =	vst.msk $0xffff, v14;
	v61 =	vshrl.u32 v48, $0x8;
	v4 =	vand.u32 $0xFF, v48  }
0x63: {  	p1 =	por p0, p0;
	s24 =	sadd.s32 s24, s17;
	s25 =	sadd.s32 s23, s25;
	v60 =	vshrl.u32 v48, $0x10;
	[tilespmem:s28+$0x0 ss:$0x81] =	vst.msk $0xffff, v1;
	v9 =	vand.u32 $0xFF, v61;
	v4 =	vpack.i.b32.b16 v4, v54  }
.Ltmp3:
0x64: {  	s29 =	sadd.s32 s20, s24;
	v1 =	vand.u32 $0xFF, v60;
	[tilespmem:s25+$0x0 ss:$0x81] =	vst.msk $0xffff, v2;
	v2 =	vpack.i.b16.b8 v4, v5;
	v63 =	vpack.i.b32.b16 v9, v15;
	(pc) =	sbr.rel @p1 .LBB1_4-.Ltmp3, $4  }
0x65: {  	s30 =	sadd.s32 s21, s24;
	v59 =	vshrl.u32 v48, $0x18;
	v1 =	vpack.i.b32.b16 v1, v13;
	[tilespmem:s29+$0x0 ss:$0x81] =	vst.msk $0xffff, v2;
	v2 =	vpack.i.b16.b8 v63, v62  }
0x66: {  	s31 =	sadd.s32 s22, s24;
	v1 =	vpack.i.b16.b8 v1, v3;
	v3 =	vpack.i.b32.b16 v59, v53;
	[tilespmem:s30+$0x0 ss:$0x81] =	vst.msk $0xffff, v2;
	v2 =	vpack.i.b32.b16 v57, v49  }
0x67: {  	s24 =	sadd.s32 s23, s24;
	[tilespmem:s31+$0x0 ss:$0x81] =	vst.msk $0xffff, v1;
	v1 =	vpack.i.b16.b8 v3, v2  }
0x68: {  	p0 =	por $0x0, $0x0;
	[tilespmem:s24+$0x0 ss:$0x81] =	vst.msk $0xffff, v1;
	s24 =	simm.s32 $0x40  }
0x69: {  	p0 =	slt.u32 s19, $0x7C  }
.Ltmp4:
0x6a: {  	_ = 	snop;
	(pc) =	sbr.rel @p0 .LBB1_3-.Ltmp4, $3  }
0x6b: {  	_ =	sdelay $0x1  }
0x6c: {  	s20 =	sadd.s32 $0x4, s19  }
0x6d: {  	s19 =	smov.u32 s20  }
0x6e: {  	s16 =	sshll.u32 s16, $0x7;
	s18 =	sshll.u32 s14, $0x5  }
0x6f: {  	s28 =	sshll.u32 s14, $0x2;
	s19 =	sand.u32 $0x1000, s16;
	s18 =	sand.u32 $0x1000, s18  }
0x70: {  	s15 =	sshll.u32 s15, $0x8;
	s16 =	sand.u32 $0xE00, s16;
	s18 =	sadd.s32 s19, s18  }
0x71: {  	s30 =	sshrl.u32 s14, $0x3;
	s29 =	sand.u32 $0x180, s28;
	s16 =	sor.u32 s16, s18  }
.Ltmp5:
0x72: {  	s31 =	sand.u32 $0x7, s14;
	s16 =	sor.u32 s29, s16;
	(pc) =	sbr.rel .LBB1_7-.Ltmp5, $4  }
0x73: {  	s15 =	sadd.s32 s2, s15;
	s18 =	sand.u32 $0x3, s30;
	s16 =	sshrl.u32 s16, $0x5  }
0x74: {  	s14 =	sshll.u32 s31, $0x12;
	s15 =	sadd.s32 s18, s15;
	s16 =	sand.u32 $0xFC, s16  }
0x75: {  	s14 =	sor.u32 $0x80, s14;
	s15 =	sadd.s32 s16, s15  }
0x76: {  	[hbm4b:s15+s14] =	stream.strided.scatter [tilespmem:s17], [sflag:$0x2], $0x4000, s9, s14, $0x20;
	[tilespmem:$0x10100] =	vst v63  }
.LBB1_8:
0x77: {  	_ =	sfence.sel $0x180000  }
0x78: {  	s1 =	simm.s32 $0x1;
	[bflag:$0x0] =	sbarrier.arrive $0xFFFF  }
0x79: {  	s31 =	simm.s32 $0x2;
	[sflag:s1] =	ssyncpa.u1 $0x1  }
0x7a: {  	[sflag:s31] =	ssyncpa.u1 $0x1  }
0x7b: {  	p0 =	sne.s32 s0, $0x0;
	_ =	strace $0x90000047  }
0x7c: {  	s0 =	sadd.s32 @!p0 $0x100000, s4;
	[bflag:$0x2] =	sbarrier.arrive $0xFFFF  }
0x7d: {  	[sflag:s0] =	ssyncadd.tile.s32 @!p0 $0x1;
	_ =	shalt  }
.Lfunc_end1:
_tile_overlayer_lowered:
.L_overlay_start_2:
0x7e: {  	(tag) =	ssettag $0x2  }
0x7f: {  	s0 =	rddreg [dreg:$0x0];
	s2 =	stileid.u32  }
0x80: {  	s1 =	rddreg [dreg:$0x1];
	p0 =	sne.s32 s2, $0x0  }
0x81: {  	s3 =	rddreg [dreg:$0x2];
	[bflag:$0x3] =	sbarrier.arrive $0xFFFF;
	s2 =	simm.s32 @!p0 $0x1C01  }
0x82: {  	[timem:s3], [sflag:s2] =	dma.local @!p0 [hbm:s0], s1  }
0x83: {  	s0 =	simm.s32 @!p0 $0x1  }
0x84: {  	_ =	swait.ge @!p0 [sflag:s0], s1  }
0x85: {  	s1 =	ssub.s32 @!p0 $0x0, s1;
	[sflag:s0] =	ssyncset.done @!p0 $0x0  }
0x86: {  	[sflag:s0] =	ssyncadd.s32 @!p0 s1  }
0x87: {  	[bflag:$0x3] =	sbarrier.arrive $0xFFFF  }
0x88: {  	_ =	shalt  }

</sc_bundles>
